<compile_context>
chip_gen: v7x
topology: tpu7x:2x2x1
jax: 0.10.2.dev20260603
libtpu: 0.0.44.dev20260713+nightly
codegen_flags: <defaults>
</compile_context>

<pallas_src>
import functools

import jax
import jax.numpy as jnp
from jax import lax
from jax.experimental import pallas as pl
from jax.experimental.pallas import tpu as pltpu
from jax.experimental.pallas import tpu_sc as plsc

_NUMY = 100000
_NUM_CLUSTERS = 8192
_GAMMA = 1.0
_LANES = 16
_ROWS_BLK = 128


def _sc_gather_body(n_idx, parent_hbm, yidx_hbm, cidx_hbm, tbl_v, idx_v, res_v):
    cid = lax.axis_index("c")
    sid = lax.axis_index("s")

    @pl.when(jnp.logical_and(cid == 0, sid == 0))
    def _():
        pltpu.sync_copy(parent_hbm, tbl_v)
        pltpu.sync_copy(yidx_hbm, idx_v)

        def body(i, carry):
            iv = idx_v[pl.ds(i * _LANES, _LANES)]
            res_v[pl.ds(i * _LANES, _LANES)] = plsc.load_gather(tbl_v, [iv])
            return carry

        lax.fori_loop(0, n_idx // _LANES, body, 0)
        pltpu.sync_copy(res_v, cidx_hbm)


def _sc_parent_gather(parent_padded, yidx_flat):
    n_idx = yidx_flat.shape[0]
    tbl_n = parent_padded.shape[0]
    return pl.kernel(
        functools.partial(_sc_gather_body, n_idx),
        out_type=jax.ShapeDtypeStruct((n_idx,), jnp.int32),
        mesh=plsc.VectorSubcoreMesh(core_axis_name="c", subcore_axis_name="s"),
        compiler_params=pltpu.CompilerParams(needs_layout_passes=False),
        scratch_types=[
            pltpu.VMEM((tbl_n,), jnp.int32),
            pltpu.VMEM((n_idx,), jnp.int32),
            pltpu.VMEM((n_idx,), jnp.int32),
        ],
    )(parent_padded, yidx_flat)


def _bce_body(inv0, inv1, out1_ref, out_ref, shorty_ref, yinds_ref, cidx_ref,
              acc_ref):
    i = pl.program_id(0)

    x = out_ref[...]
    sh = shorty_ref[...]
    yi = yinds_ref[...]
    m = sh == yi[:, 0:1]
    for k in range(1, yi.shape[1]):
        m = jnp.logical_or(m, sh == yi[:, k:k + 1])
    m = jnp.logical_and(m, sh != _NUMY)
    s0 = jnp.sum(jnp.maximum(x, 0.0) + jnp.log1p(jnp.exp(-jnp.abs(x)))
                 - jnp.where(m, x, 0.0))

    x1 = out1_ref[...]
    col = lax.broadcasted_iota(jnp.int32, x1.shape, 1)
    ci = cidx_ref[...]
    m1 = col == ci[:, 0:1]
    for k in range(1, ci.shape[1]):
        m1 = jnp.logical_or(m1, col == ci[:, k:k + 1])
    m1 = jnp.logical_and(m1, col != _NUM_CLUSTERS)
    s1 = jnp.sum(jnp.maximum(x1, 0.0) + jnp.log1p(jnp.exp(-jnp.abs(x1)))
                 - jnp.where(m1, x1, 0.0))

    part = s0 * inv0 + (_GAMMA * inv1) * s1

    @pl.when(i == 0)
    def _():
        acc_ref[...] = jnp.zeros_like(acc_ref)

    acc_ref[...] += jnp.reshape(part, (1, 1))


def _bce_pallas(out1, out, shorty, y_inds, cidx, interpret=False):
    b, beam = out.shape
    ncp1 = out1.shape[1]
    lp = y_inds.shape[1]
    nblk = b // _ROWS_BLK
    inv0 = 1.0 / (b * beam)
    inv1 = 1.0 / (b * ncp1)
    acc = pl.pallas_call(
        functools.partial(_bce_body, inv0, inv1),
        grid=(nblk,),
        in_specs=[
            pl.BlockSpec((_ROWS_BLK, ncp1), lambda i: (i, 0)),
            pl.BlockSpec((_ROWS_BLK, beam), lambda i: (i, 0)),
            pl.BlockSpec((_ROWS_BLK, beam), lambda i: (i, 0)),
            pl.BlockSpec((_ROWS_BLK, lp), lambda i: (i, 0)),
            pl.BlockSpec((_ROWS_BLK, lp), lambda i: (i, 0)),
        ],
        out_specs=pl.BlockSpec((1, 1), lambda i: (0, 0)),
        out_shape=jax.ShapeDtypeStruct((1, 1), jnp.float32),
        interpret=interpret,
    )(out1, out, shorty, y_inds, cidx)
    return acc[0, 0]


def kernel(out1, out, shorty, y_inds, parent):
    b, lp = y_inds.shape
    tbl_n = (parent.shape[0] + _LANES - 1) // _LANES * _LANES
    parent_padded = jnp.pad(parent, (0, tbl_n - parent.shape[0]))
    cidx = _sc_parent_gather(parent_padded, y_inds.reshape(-1)).reshape(b, lp)
    return _bce_pallas(out1, out, shorty, y_inds, cidx)

# --- scband reference (transcript-rebuilt; emitter-appended) ---
"""Pipeline reference for scband-beam-bceloss-46231027974454 (READ-ONLY COPY).

The authoritative reference and input builder live on the scoring server;
editing this copy changes nothing except your own understanding.
"""

import jax, jax.numpy as jnp
import numpy as np

NUMY = 100000
GAMMA = 1.0
NUM_CLUSTERS = 8192
B = 1024
BEAM = 1024
LABELS_PER = 5


def setup_inputs(seed: int = 0) -> dict:
    key = jax.random.key(seed)
    k1, k2, k3, k4, k5 = jax.random.split(key, 5)
    out1 = jax.random.normal(k1, (B, NUM_CLUSTERS + 1), dtype=jnp.float32)
    out = jax.random.normal(k2, (B, BEAM), dtype=jnp.float32)
    shorty = jax.random.randint(k3, (B, BEAM), 0, NUMY + 1, dtype=jnp.int32)
    y_inds = jax.random.randint(k4, (B, LABELS_PER), 0, NUMY + 1, dtype=jnp.int32)
    parent = jax.random.randint(k5, (NUMY + 1,), 0, NUM_CLUSTERS + 1, dtype=jnp.int32)
    return {"out1": out1, "out": out, "shorty": shorty, "y_inds": y_inds, "parent": parent}


def _bce_with_logits_mean(x, t):
    # matches torch.nn.BCEWithLogitsLoss(reduction='mean')
    return jnp.mean(jnp.maximum(x, 0.0) - x * t + jnp.log1p(jnp.exp(-jnp.abs(x))))


def reference(out1, out, shorty, y_inds, parent):
    b = out.shape[0]
    rows = jnp.arange(b)[:, None]
    # yfull = zeros([B, numy+1]).scatter_(1, y_inds, 1)
    yfull = jnp.zeros((b, NUMY + 1), dtype=out.dtype)
    yfull = yfull.at[rows, y_inds].set(1.0)
    yfull = yfull.at[:, -1].set(0.0)
    # targets = gather(yfull, 1, shorty)
    targets = jnp.take_along_axis(yfull, shorty, axis=1)
    # cluster_targets = zeros_like(out1).scatter_(1, parent[y_inds], 1)
    cluster_idx = parent[y_inds]
    cluster_targets = jnp.zeros_like(out1)
    cluster_targets = cluster_targets.at[rows, cluster_idx].set(1.0)
    cluster_targets = cluster_targets.at[:, -1].set(0.0)
    loss = _bce_with_logits_mean(out, targets) + GAMMA * _bce_with_logits_mean(out1, cluster_targets)
    return loss

if __name__ == "__main__":
    import jax
    _d = setup_inputs()
    print(jax.jit(kernel)(*tuple(_d.values())))

</pallas_src>

<mosaic_0001>
#map = affine_map<(d0, d1) -> (0)>
module attributes {stable_mosaic.version = 14 : i64} {
  func.func @_sc_gather_body(%arg0: i32, %arg1: i32, %arg2: memref<100016xi32, #tpu.memory_space<hbm>>, %arg3: memref<5120xi32, #tpu.memory_space<hbm>>, %arg4: memref<5120xi32, #tpu.memory_space<hbm>>, %arg5: memref<100016xi32, #tpu.memory_space<vmem>>, %arg6: memref<5120xi32, #tpu.memory_space<vmem>>, %arg7: memref<5120xi32, #tpu.memory_space<vmem>>) attributes {dimension_semantics = [#tpu.dimension_semantics<core_parallel>, #tpu.dimension_semantics<subcore_parallel>], iteration_bounds = array<i64: 2, 16>, scalar_prefetch = 0 : i64, scratch_operands = 3 : i64, tpu.core_type = #tpu.core_type<sc_vector_subcore>, window_params = [{transform_indices = #map}, {transform_indices = #map}, {transform_indices = #map}]} {
    %eq3A = arith.constant 0 : i32
    %eq3A_0 = arith.cmpi eq, %arg0, %eq3A : i32
    %eq3A_1 = arith.constant 0 : i32
    %eq3A_2 = arith.cmpi eq, %arg1, %eq3A_1 : i32
    %and3A = arith.andi %eq3A_0, %eq3A_2 : i1
    %convert_element_type3A = arith.extui %and3A : i1 to i32
    %cond3A = arith.constant 0 : i32
    %cond3A_3 = arith.cmpi ne, %convert_element_type3A, %cond3A : i32
    scf.if %cond3A_3 {
      "tpu.region"() ({
        %run_scoped3A = tpu.sem_alloc : memref<!tpu.dma_semaphore, #tpu.memory_space<semaphore_mem>>
        tpu.enqueue_dma source(%arg2 : memref<100016xi32, #tpu.memory_space<hbm>>) target(%arg5 : memref<100016xi32, #tpu.memory_space<vmem>>) target_semaphore(%run_scoped3A : memref<!tpu.dma_semaphore, #tpu.memory_space<semaphore_mem>>)
        tpu.wait_dma2 semaphore(%run_scoped3A : memref<!tpu.dma_semaphore, #tpu.memory_space<semaphore_mem>>) src(%arg2 : memref<100016xi32, #tpu.memory_space<hbm>>) dst(%arg5 : memref<100016xi32, #tpu.memory_space<vmem>>)
        tpu.yield
      }) : () -> ()
      "tpu.region"() ({
        %run_scoped3A = tpu.sem_alloc : memref<!tpu.dma_semaphore, #tpu.memory_space<semaphore_mem>>
        tpu.enqueue_dma source(%arg3 : memref<5120xi32, #tpu.memory_space<hbm>>) target(%arg6 : memref<5120xi32, #tpu.memory_space<vmem>>) target_semaphore(%run_scoped3A : memref<!tpu.dma_semaphore, #tpu.memory_space<semaphore_mem>>)
        tpu.wait_dma2 semaphore(%run_scoped3A : memref<!tpu.dma_semaphore, #tpu.memory_space<semaphore_mem>>) src(%arg3 : memref<5120xi32, #tpu.memory_space<hbm>>) dst(%arg6 : memref<5120xi32, #tpu.memory_space<vmem>>)
        tpu.yield
      }) : () -> ()
      %scan3A = arith.constant 0 : i32
      %scan3A_4 = arith.constant 0 : i32
      %scan3A_5 = arith.constant 320 : i32
      %scan3A_6 = arith.addi %scan3A_4, %scan3A_5 : i32
      %scan3A_7 = arith.constant 1 : i32
      scf.for %scan3A_9 = %scan3A_4 to %scan3A_6 step %scan3A_7  : i32 {
        %mul3A = arith.constant 16 : i32
        %mul3A_10 = arith.muli %scan3A_9, %mul3A : i32
        %get3A = arith.index_cast %mul3A_10 : i32 to index
        %get3A_11 = tpu.vector_load %arg6[%get3A] {strides = array<i32>} : memref<5120xi32, #tpu.memory_space<vmem>>, vector<16xi32>,
        %gather3A = tpu.vector_load_idx %arg5[%get3A_11] : memref<100016xi32, #tpu.memory_space<vmem>>[vector<16xi32>], vector<16xi32>,
        %mul3A_12 = arith.constant 16 : i32
        %mul3A_13 = arith.muli %scan3A_9, %mul3A_12 : i32
        %swap3A = arith.index_cast %mul3A_13 : i32 to index
        %swap3A_14 = tpu.vector_load %arg7[%swap3A] {strides = array<i32>} : memref<5120xi32, #tpu.memory_space<vmem>>, vector<16xi32>,
        tpu.vector_store %arg7[%swap3A], %gather3A {strides = array<i32>} : memref<5120xi32, #tpu.memory_space<vmem>>, vector<16xi32>,
      }
      %scan3A_8 = arith.constant 320 : i32
      "tpu.region"() ({
        %run_scoped3A = tpu.sem_alloc : memref<!tpu.dma_semaphore, #tpu.memory_space<semaphore_mem>>
        tpu.enqueue_dma source(%arg7 : memref<5120xi32, #tpu.memory_space<vmem>>) target(%arg4 : memref<5120xi32, #tpu.memory_space<hbm>>) target_semaphore(%run_scoped3A : memref<!tpu.dma_semaphore, #tpu.memory_space<semaphore_mem>>)
        tpu.wait_dma2 semaphore(%run_scoped3A : memref<!tpu.dma_semaphore, #tpu.memory_space<semaphore_mem>>) src(%arg7 : memref<5120xi32, #tpu.memory_space<vmem>>) dst(%arg4 : memref<5120xi32, #tpu.memory_space<hbm>>)
        tpu.yield
      }) : () -> ()
    } else {
    }
    return
  }
}

module attributes {stable_mosaic.version = 14 : i64} {
  func.func @_bce_body(%arg0: i32, %arg1: memref<128x8193xf32, #tpu.memory_space<vmem>>, %arg2: memref<128x1024xf32, #tpu.memory_space<vmem>>, %arg3: memref<128x1024xi32, #tpu.memory_space<vmem>>, %arg4: memref<128x5xi32, #tpu.memory_space<vmem>>, %arg5: memref<128x5xi32, #tpu.memory_space<vmem>>, %arg6: memref<1x1xf32, #tpu.memory_space<vmem>>) attributes {dimension_semantics = [#tpu.dimension_semantics<arbitrary>], iteration_bounds = array<i64: 8>, scalar_prefetch = 0 : i64, scratch_operands = 0 : i64, tpu.core_type = #tpu.core_type<tc>, window_params = [{transform_indices = @transform_0, window_bounds = array<i64: 128, 8193>}, {transform_indices = @transform_1, window_bounds = array<i64: 128, 1024>}, {transform_indices = @transform_2, window_bounds = array<i64: 128, 1024>}, {transform_indices = @transform_3, window_bounds = array<i64: 128, 5>}, {transform_indices = @transform_4, window_bounds = array<i64: 128, 5>}, {pipeline_mode = #tpu.pipeline_mode<synchronous>, transform_indices = @transform_5, window_bounds = array<i64: 1, 1>}]} {
    %get3A = arith.constant 0 : index
    %get3A_0 = arith.constant 0 : index
    %get3A_1 = vector.load %arg2[%get3A, %get3A_0] : memref<128x1024xf32, #tpu.memory_space<vmem>>, vector<128x1024xf32>
    %get3A_2 = arith.constant 0 : index
    %get3A_3 = arith.constant 0 : index
    %get3A_4 = vector.load %arg3[%get3A_2, %get3A_3] : memref<128x1024xi32, #tpu.memory_space<vmem>>, vector<128x1024xi32>
    %get3A_5 = arith.constant 0 : index
    %get3A_6 = arith.constant 0 : index
    %get3A_7 = vector.load %arg4[%get3A_5, %get3A_6] : memref<128x5xi32, #tpu.memory_space<vmem>>, vector<128x5xi32>
    %slice3A = vector.extract_strided_slice %get3A_7 {offsets = [0, 0], sizes = [128, 1], strides = [1, 1]} : vector<128x5xi32> to vector<128x1xi32>
    %eq3A = vector.broadcast %slice3A : vector<128x1xi32> to vector<128x1024xi32>
    %eq3A_8 = arith.cmpi eq, %get3A_4, %eq3A : vector<128x1024xi32>
    %slice3A_9 = vector.extract_strided_slice %get3A_7 {offsets = [0, 1], sizes = [128, 1], strides = [1, 1]} : vector<128x5xi32> to vector<128x1xi32>
    %eq3A_10 = vector.broadcast %slice3A_9 : vector<128x1xi32> to vector<128x1024xi32>
    %eq3A_11 = arith.cmpi eq, %get3A_4, %eq3A_10 : vector<128x1024xi32>
    %or3A = arith.ori %eq3A_8, %eq3A_11 : vector<128x1024xi1>
    %slice3A_12 = vector.extract_strided_slice %get3A_7 {offsets = [0, 2], sizes = [128, 1], strides = [1, 1]} : vector<128x5xi32> to vector<128x1xi32>
    %eq3A_13 = vector.broadcast %slice3A_12 : vector<128x1xi32> to vector<128x1024xi32>
    %eq3A_14 = arith.cmpi eq, %get3A_4, %eq3A_13 : vector<128x1024xi32>
    %or3A_15 = arith.ori %or3A, %eq3A_14 : vector<128x1024xi1>
    %slice3A_16 = vector.extract_strided_slice %get3A_7 {offsets = [0, 3], sizes = [128, 1], strides = [1, 1]} : vector<128x5xi32> to vector<128x1xi32>
    %eq3A_17 = vector.broadcast %slice3A_16 : vector<128x1xi32> to vector<128x1024xi32>
    %eq3A_18 = arith.cmpi eq, %get3A_4, %eq3A_17 : vector<128x1024xi32>
    %or3A_19 = arith.ori %or3A_15, %eq3A_18 : vector<128x1024xi1>
    %slice3A_20 = vector.extract_strided_slice %get3A_7 {offsets = [0, 4], sizes = [128, 1], strides = [1, 1]} : vector<128x5xi32> to vector<128x1xi32>
    %eq3A_21 = vector.broadcast %slice3A_20 : vector<128x1xi32> to vector<128x1024xi32>
    %eq3A_22 = arith.cmpi eq, %get3A_4, %eq3A_21 : vector<128x1024xi32>
    %or3A_23 = arith.ori %or3A_19, %eq3A_22 : vector<128x1024xi1>
    %ne3A = arith.constant 100000 : i32
    %ne3A_24 = vector.broadcast %ne3A : i32 to vector<128x1024xi32>
    %ne3A_25 = arith.cmpi ne, %get3A_4, %ne3A_24 : vector<128x1024xi32>
    %and3A = arith.andi %or3A_23, %ne3A_25 : vector<128x1024xi1>
    %max3A = arith.constant 0.000000e+00 : f32
    %max3A_26 = vector.broadcast %max3A : f32 to vector<128x1024xf32>
    %max3A_27 = arith.maximumf %get3A_1, %max3A_26 : vector<128x1024xf32>
    %abs3A = math.absf %get3A_1 : vector<128x1024xf32>
    %neg3A = arith.constant 0.000000e+00 : f32
    %neg3A_28 = vector.broadcast %neg3A : f32 to vector<128x1024xf32>
    %neg3A_29 = arith.subf %neg3A_28, %abs3A : vector<128x1024xf32>
    %exp3A = math.exp %neg3A_29 : vector<128x1024xf32>
    %log1p3A = math.log1p %exp3A : vector<128x1024xf32>
    %add3A = arith.addf %max3A_27, %log1p3A : vector<128x1024xf32>
    %jit3A = arith.constant 0.000000e+00 : f32
    %broadcast_in_dim3A = vector.broadcast %jit3A : f32 to vector<128x1024xf32>
    %select_n3A = arith.select %and3A, %get3A_1, %broadcast_in_dim3A : vector<128x1024xi1>, vector<128x1024xf32>
    %sub3A = arith.subf %add3A, %select_n3A : vector<128x1024xf32>
    %reduce_sum3A = vector.shape_cast %sub3A : vector<128x1024xf32> to vector<1x128x1024xf32>
    %reduce_sum3A_30 = arith.constant dense<0.000000e+00> : vector<1xf32>
    %reduce_sum3A_31 = vector.multi_reduction <add>, %reduce_sum3A, %reduce_sum3A_30 [1, 2] : vector<1x128x1024xf32> to vector<1xf32>
    %reduce_sum3A_32 = vector.shape_cast %reduce_sum3A_31 : vector<1xf32> to vector<1x1x1xf32>
    %reduce_sum3A_33 = vector.extract %reduce_sum3A_32[0, 0, 0] : f32 from vector<1x1x1xf32>
    %get3A_34 = arith.constant 0 : index
    %get3A_35 = arith.constant 0 : index
    %get3A_36 = vector.load %arg1[%get3A_34, %get3A_35] : memref<128x8193xf32, #tpu.memory_space<vmem>>, vector<128x8193xf32>
    %iota3A = tpu.iota {dimensions = array<i32: 1>} : vector<128x8193xi32>
    %get3A_37 = arith.constant 0 : index
    %get3A_38 = arith.constant 0 : index
    %get3A_39 = vector.load %arg5[%get3A_37, %get3A_38] : memref<128x5xi32, #tpu.memory_space<vmem>>, vector<128x5xi32>
    %slice3A_40 = vector.extract_strided_slice %get3A_39 {offsets = [0, 0], sizes = [128, 1], strides = [1, 1]} : vector<128x5xi32> to vector<128x1xi32>
    %eq3A_41 = vector.broadcast %slice3A_40 : vector<128x1xi32> to vector<128x8193xi32>
    %eq3A_42 = arith.cmpi eq, %iota3A, %eq3A_41 : vector<128x8193xi32>
    %slice3A_43 = vector.extract_strided_slice %get3A_39 {offsets = [0, 1], sizes = [128, 1], strides = [1, 1]} : vector<128x5xi32> to vector<128x1xi32>
    %eq3A_44 = vector.broadcast %slice3A_43 : vector<128x1xi32> to vector<128x8193xi32>
    %eq3A_45 = arith.cmpi eq, %iota3A, %eq3A_44 : vector<128x8193xi32>
    %or3A_46 = arith.ori %eq3A_42, %eq3A_45 : vector<128x8193xi1>
    %slice3A_47 = vector.extract_strided_slice %get3A_39 {offsets = [0, 2], sizes = [128, 1], strides = [1, 1]} : vector<128x5xi32> to vector<128x1xi32>
    %eq3A_48 = vector.broadcast %slice3A_47 : vector<128x1xi32> to vector<128x8193xi32>
    %eq3A_49 = arith.cmpi eq, %iota3A, %eq3A_48 : vector<128x8193xi32>
    %or3A_50 = arith.ori %or3A_46, %eq3A_49 : vector<128x8193xi1>
    %slice3A_51 = vector.extract_strided_slice %get3A_39 {offsets = [0, 3], sizes = [128, 1], strides = [1, 1]} : vector<128x5xi32> to vector<128x1xi32>
    %eq3A_52 = vector.broadcast %slice3A_51 : vector<128x1xi32> to vector<128x8193xi32>
    %eq3A_53 = arith.cmpi eq, %iota3A, %eq3A_52 : vector<128x8193xi32>
    %or3A_54 = arith.ori %or3A_50, %eq3A_53 : vector<128x8193xi1>
    %slice3A_55 = vector.extract_strided_slice %get3A_39 {offsets = [0, 4], sizes = [128, 1], strides = [1, 1]} : vector<128x5xi32> to vector<128x1xi32>
    %eq3A_56 = vector.broadcast %slice3A_55 : vector<128x1xi32> to vector<128x8193xi32>
    %eq3A_57 = arith.cmpi eq, %iota3A, %eq3A_56 : vector<128x8193xi32>
    %or3A_58 = arith.ori %or3A_54, %eq3A_57 : vector<128x8193xi1>
    %ne3A_59 = arith.constant 8192 : i32
    %ne3A_60 = vector.broadcast %ne3A_59 : i32 to vector<128x8193xi32>
    %ne3A_61 = arith.cmpi ne, %iota3A, %ne3A_60 : vector<128x8193xi32>
    %and3A_62 = arith.andi %or3A_58, %ne3A_61 : vector<128x8193xi1>
    %max3A_63 = arith.constant 0.000000e+00 : f32
    %max3A_64 = vector.broadcast %max3A_63 : f32 to vector<128x8193xf32>
    %max3A_65 = arith.maximumf %get3A_36, %max3A_64 : vector<128x8193xf32>
    %abs3A_66 = math.absf %get3A_36 : vector<128x8193xf32>
    %neg3A_67 = arith.constant 0.000000e+00 : f32
    %neg3A_68 = vector.broadcast %neg3A_67 : f32 to vector<128x8193xf32>
    %neg3A_69 = arith.subf %neg3A_68, %abs3A_66 : vector<128x8193xf32>
    %exp3A_70 = math.exp %neg3A_69 : vector<128x8193xf32>
    %log1p3A_71 = math.log1p %exp3A_70 : vector<128x8193xf32>
    %add3A_72 = arith.addf %max3A_65, %log1p3A_71 : vector<128x8193xf32>
    %jit3A_73 = arith.constant 0.000000e+00 : f32
    %broadcast_in_dim3A_74 = vector.broadcast %jit3A_73 : f32 to vector<128x8193xf32>
    %select_n3A_75 = arith.select %and3A_62, %get3A_36, %broadcast_in_dim3A_74 : vector<128x8193xi1>, vector<128x8193xf32>
    %sub3A_76 = arith.subf %add3A_72, %select_n3A_75 : vector<128x8193xf32>
    %reduce_sum3A_77 = vector.shape_cast %sub3A_76 : vector<128x8193xf32> to vector<1x128x8193xf32>
    %reduce_sum3A_78 = arith.constant dense<0.000000e+00> : vector<1xf32>
    %reduce_sum3A_79 = vector.multi_reduction <add>, %reduce_sum3A_77, %reduce_sum3A_78 [1, 2] : vector<1x128x8193xf32> to vector<1xf32>
    %reduce_sum3A_80 = vector.shape_cast %reduce_sum3A_79 : vector<1xf32> to vector<1x1x1xf32>
    %reduce_sum3A_81 = vector.extract %reduce_sum3A_80[0, 0, 0] : f32 from vector<1x1x1xf32>
    %mul3A = arith.constant 9.53674316E-7 : f32
    %mul3A_82 = arith.mulf %reduce_sum3A_33, %mul3A : f32
    %mul3A_83 = arith.constant 1.19194738E-7 : f32
    %mul3A_84 = arith.mulf %mul3A_83, %reduce_sum3A_81 : f32
    %add3A_85 = arith.addf %mul3A_82, %mul3A_84 : f32
    %eq3A_86 = arith.constant 0 : i32
    %eq3A_87 = arith.cmpi eq, %arg0, %eq3A_86 : i32
    %convert_element_type3A = arith.extui %eq3A_87 : i1 to i32
    %cond3A = arith.constant 0 : i32
    %cond3A_88 = arith.cmpi ne, %convert_element_type3A, %cond3A : i32
    scf.if %cond3A_88 {
      %broadcast_in_dim3A_95 = arith.constant 0.000000e+00 : f32
      %broadcast_in_dim3A_96 = vector.broadcast %broadcast_in_dim3A_95 : f32 to vector<1x1xf32>
      %swap3A_97 = arith.constant 0 : index
      %swap3A_98 = arith.constant 0 : index
      %swap3A_99 = vector.load %arg6[%swap3A_97, %swap3A_98] : memref<1x1xf32, #tpu.memory_space<vmem>>, vector<1x1xf32>
      tpu.vector_store %arg6[%swap3A_97, %swap3A_98], %broadcast_in_dim3A_96 {strides = array<i32>} : memref<1x1xf32, #tpu.memory_space<vmem>>, vector<1x1xf32>,
    } else {
    }
    %get3A_89 = arith.constant 0 : index
    %get3A_90 = arith.constant 0 : index
    %get3A_91 = vector.load %arg6[%get3A_89, %get3A_90] : memref<1x1xf32, #tpu.memory_space<vmem>>, vector<1x1xf32>
    %reshape3A = vector.broadcast %add3A_85 : f32 to vector<1x1xf32>
    %add3A_92 = arith.addf %get3A_91, %reshape3A : vector<1x1xf32>
    %swap3A = arith.constant 0 : index
    %swap3A_93 = arith.constant 0 : index
    %swap3A_94 = vector.load %arg6[%swap3A, %swap3A_93] : memref<1x1xf32, #tpu.memory_space<vmem>>, vector<1x1xf32>
    tpu.vector_store %arg6[%swap3A, %swap3A_93], %add3A_92 {strides = array<i32>} : memref<1x1xf32, #tpu.memory_space<vmem>>, vector<1x1xf32>,
    return
  }
  func.func @transform_0(%arg0: i32) -> (i32, i32) {
    %c0_i32 = arith.constant 0 : i32
    %c0_i32_0 = arith.constant 0 : i32
    return %arg0, %c0_i32 : i32, i32
  }
  func.func @transform_1(%arg0: i32) -> (i32, i32) {
    %c0_i32 = arith.constant 0 : i32
    %c0_i32_0 = arith.constant 0 : i32
    return %arg0, %c0_i32 : i32, i32
  }
  func.func @transform_2(%arg0: i32) -> (i32, i32) {
    %c0_i32 = arith.constant 0 : i32
    %c0_i32_0 = arith.constant 0 : i32
    return %arg0, %c0_i32 : i32, i32
  }
  func.func @transform_3(%arg0: i32) -> (i32, i32) {
    %c0_i32 = arith.constant 0 : i32
    %c0_i32_0 = arith.constant 0 : i32
    return %arg0, %c0_i32 : i32, i32
  }
  func.func @transform_4(%arg0: i32) -> (i32, i32) {
    %c0_i32 = arith.constant 0 : i32
    %c0_i32_0 = arith.constant 0 : i32
    return %arg0, %c0_i32 : i32, i32
  }
  func.func @transform_5(%arg0: i32) -> (i32, i32) {
    %c0_i32 = arith.constant 0 : i32
    %c0_i32_0 = arith.constant 0 : i32
    %c0_i32_1 = arith.constant 0 : i32
    return %c0_i32, %c0_i32_0 : i32, i32
  }
}

</mosaic_0001>

<sc_bundles>
// kernel: kernel.4.cloned.1.call-start
scs
__scs_entry_jumppad:
0x0: {  	(pc) =	sbr.rel $0x88, $3  }
0x1: {  	(tag) =	ssettag $0x0;
	lr =	simm.s32 $0x1  }
0x2: {  	[smem:$0x3F9C] =	sst lr;
	_ =	strace $0xD0000000  }
0x3: {  	_ = 	snop  }
0x4: {  	_ = 	snop  }
0x5: {  	_ = 	snop  }
0x6: {  	_ = 	snop  }
0x7: {  	_ = 	snop  }
__scs_overlays_trampoline_lowered:
0x8: {  	[smem:$0x3FAB] =	sst s0  }
0x9: {  	[smem:$0x3FAC] =	sst s1  }
0xa: {  	[smem:$0x3FAD] =	sst s2  }
0xb: {  	[smem:$0x3FAE] =	sst s3  }
0xc: {  	[smem:$0x3FAF] =	sst s4  }
0xd: {  	[smem:$0x3FB0] =	sst s5  }
0xe: {  	[smem:$0x3FB1] =	sst s6  }
0xf: {  	[smem:$0x3FB2] =	sst s7  }
0x10: {  	[smem:$0x3FB3] =	sst s8  }
0x11: {  	[smem:$0x3FB4] =	sst s9;
	s0 =	simm.s32 @!p0 $0x0  }
0x12: {  	s1 =	sld [smem:$0x3F9A];
	s0 =	simm.s32 @p0 $0x1  }
0x13: {  	[smem:$0x3FB5] =	sst s0;
	s0 =	simm.s32 @!p1 $0x0  }
0x14: {  	s2 =	sld [smem:$0x3F99];
	s0 =	simm.s32 @p1 $0x1  }
0x15: {  	[smem:$0x3FB6] =	sst s0;
	s0 =	simm.s32 @!p2 $0x0  }
0x16: {  	s3 =	sld [smem:$0x3FDB];
	s0 =	simm.s32 @p2 $0x1  }
0x17: {  	s4 =	simm.s32 $0x1BF5;
	[smem:$0x3FB8] =	sst s0  }
0x18: {  	s0 =	sld [smem:$0x3F9B];
	_ =	swait.ge [sflag:s4], $0x0  }
0x19: {  	s7 =	sld [smem:$0x3F9C]  }
0x1a: {  	s8 =	sadd.s32 $0xFFFFE003, lr  }
0x1b: {  	s9 =	sadd.s32 $0xFFFFFEF7, lr;
	s5 =	simm.s32 $0xFFFFFFFF;
	p2 =	slt.u32 s8, $0xFFFFF086  }
0x1c: {  	p1 =	slt.u32 s9, $0xF7A;
	s5 =	simm.s32 @!p2 $0x0  }
0x1d: {  	s5 =	simm.s32 @p1 $0x1;
	p0 =	seq.s32 s7, s2  }
0x1e: {  	s7 =	smul.u32 @!p0 $0xF7A, s2;
	p2 =	seq.s32 @!p0 s5, $0x0  }
0x1f: {  	s9 =	smul.u32 $0xF7A, s1;
	s8 =	simm.s32 @!p0 $0x1BF5;
	p2 =	por !p2, p0  }
0x20: {  	[sflag:s8] =	ssyncset.s32 @!p0 $0xFFFFF086;
	s6 =	sadd.s32 @!p0 s3, s7;
	s7 =	simm.s32 @!p0 $0x108  }
0x21: {  	s3 =	sadd.s32 s3, s9;
	s6 =	sadd.s32 @!p0 $0x88, s6;
	s7 =	simm.s32 @p2 $0x1082  }
0x22: {  	[simem:s7], [sflag:s8] =	dma.local @!p0 [hbm:s6], $0xF7A  }
0x23: {  	s9 =	sor.u32 $0xD0000000, s2;
	s6 =	simm.s32 $0x108;
	_ =	swait.ge @!p0 [sflag:s8], $0x0  }
0x24: {  	s3 =	sadd.s32 $0x88, s3;
	s6 =	simm.s32 @!p1 $0x1082;
	[sflag:s4] =	ssyncset.s32 $0xFFFFF086  }
0x25: {  	[simem:s6], [sflag:s4] =	dma.local [hbm:s3], $0xF7A  }
0x26: {  	[smem:$0x3F9C] =	sst s1;
	(tag) =	ssettag s2;
	_ =	strace s9  }
0x27: {  	s1 =	sld [smem:$0x3FAC]  }
0x28: {  	s2 =	sld [smem:$0x3FAD]  }
0x29: {  	s4 =	sld [smem:$0x3FAF]  }
0x2a: {  	p0 =	seq.s32 s5, $0x0;
	s5 =	sld [smem:$0x3FB0]  }
0x2b: {  	s6 =	sld [smem:$0x3FB1]  }
0x2c: {  	s7 =	sld [smem:$0x3FB2]  }
0x2d: {  	s3 =	simm.s32 $0x108;
	s8 =	sld [smem:$0x3FB3]  }
0x2e: {  	s3 =	simm.s32 @!p0 $0x1082;
	s9 =	sld [smem:$0x3FB4]  }
0x2f: {  	lr =	sadd.s32 s0, s3;
	s0 =	sld [smem:$0x3FAB]  }
0x30: {  	s3 =	sld [smem:$0x3FAE]  }
0x31: {  	[smem:$0x3FB7] =	sst s10  }
0x32: {  	s10 =	sld [smem:$0x3FB5];
	_ =	sdelay $0x3  }
0x33: {  	p0 =	seq.s32 s10, $0x1;
	s10 =	sld [smem:$0x3FB7];
	_ =	sdelay $0x3  }
0x34: {  	[smem:$0x3FB7] =	sst s10  }
0x35: {  	s10 =	sld [smem:$0x3FB6];
	_ =	sdelay $0x3  }
0x36: {  	p1 =	seq.s32 s10, $0x1;
	s10 =	sld [smem:$0x3FB7];
	_ =	sdelay $0x3  }
0x37: {  	[smem:$0x3FB7] =	sst s10  }
0x38: {  	s10 =	sld [smem:$0x3FB8]  }
0x39: {  	_ = 	snop;
	(pc) =	sbr.ind lr, $3  }
0x3a: {  	_ = 	snop  }
0x3b: {  	_ = 	snop  }
0x3c: {  	p2 =	seq.s32 s10, $0x1;
	s10 =	sld [smem:$0x3FB7]  }
0x3d: {  	_ =	shalt  }
0x3e: {  	_ =	shalt  }
0x3f: {  	_ =	shalt  }
0x40: {  	_ =	shalt  }
0x41: {  	_ =	shalt  }
0x42: {  	_ =	shalt  }
0x43: {  	_ =	shalt  }
0x44: {  	_ =	shalt  }
0x45: {  	_ =	shalt  }
0x46: {  	_ =	shalt  }
0x47: {  	_ =	shalt  }
0x48: {  	_ =	shalt  }
0x49: {  	_ =	shalt  }
0x4a: {  	_ =	shalt  }
0x4b: {  	_ =	shalt  }
0x4c: {  	_ =	shalt  }
0x4d: {  	_ =	shalt  }
0x4e: {  	_ =	shalt  }
0x4f: {  	_ =	shalt  }
0x50: {  	_ =	shalt  }
0x51: {  	_ =	shalt  }
0x52: {  	_ =	shalt  }
0x53: {  	_ =	shalt  }
0x54: {  	_ =	shalt  }
0x55: {  	_ =	shalt  }
0x56: {  	_ =	shalt  }
0x57: {  	_ =	shalt  }
0x58: {  	_ =	shalt  }
0x59: {  	_ =	shalt  }
0x5a: {  	_ =	shalt  }
0x5b: {  	_ =	shalt  }
0x5c: {  	_ =	shalt  }
0x5d: {  	_ =	shalt  }
0x5e: {  	_ =	shalt  }
0x5f: {  	_ =	shalt  }
0x60: {  	_ =	shalt  }
0x61: {  	_ =	shalt  }
0x62: {  	_ =	shalt  }
0x63: {  	_ =	shalt  }
0x64: {  	_ =	shalt  }
0x65: {  	_ =	shalt  }
0x66: {  	_ =	shalt  }
0x67: {  	_ =	shalt  }
0x68: {  	_ =	shalt  }
0x69: {  	_ =	shalt  }
0x6a: {  	_ =	shalt  }
0x6b: {  	_ =	shalt  }
0x6c: {  	_ =	shalt  }
0x6d: {  	_ =	shalt  }
0x6e: {  	_ =	shalt  }
0x6f: {  	_ =	shalt  }
0x70: {  	_ =	shalt  }
0x71: {  	_ =	shalt  }
0x72: {  	_ =	shalt  }
0x73: {  	_ =	shalt  }
0x74: {  	_ =	shalt  }
0x75: {  	_ =	shalt  }
0x76: {  	_ =	shalt  }
0x77: {  	_ =	shalt  }
0x78: {  	_ =	shalt  }
0x79: {  	_ =	shalt  }
0x7a: {  	_ =	shalt  }
0x7b: {  	_ =	shalt  }
0x7c: {  	_ =	shalt  }
0x7d: {  	_ =	shalt  }
0x7e: {  	_ =	shalt  }
0x7f: {  	_ =	shalt  }
0x80: {  	_ =	shalt  }
0x81: {  	_ =	shalt  }
0x82: {  	_ =	shalt  }
0x83: {  	_ =	shalt  }
0x84: {  	_ =	shalt  }
0x85: {  	_ =	shalt  }
0x86: {  	_ =	shalt  }
0x87: {  	_ =	shalt  }
.Lfunc_end0:
.L_simem_size_0:
called_computation_lowered:
.L_overlay_start_0:
0x88: {  	s2 =	sld [smem:$0x3FD9]  }
0x89: {  	s3 =	sld [smem:$0x3FFE];
	_ =	sdelay $0x1  }
0x8a: {  	s1 =	srdreg.scid  }
0x8b: {  	s0 =	sand.u32 $0x1, s1  }
0x8c: {  	s16 =	sshll.u32 s0, $0xA;
	s2 =	sadd.s32 s3, s2  }
0x8d: {  	s2 =	sadd.s32 s2, s16  }
0x8e: {  	[smem:$0x3FC3] =	sst s2  }
0x8f: {  	_ = 	snop  }
0x90: {  	(tm) =	ssettm $0x1  }
0x91: {  	s17 =	sld [smem:$0x3FFB];
	_ =	sdelay $0x3  }
0x92: {  	_ =	strace s17  }
0x93: {  	s2 =	sld [smem:$0x3FFC];
	_ =	sdelay $0x3  }
0x94: {  	_ =	strace s2  }
0x95: {  	s2 =	sld [smem:$0x3FFD];
	_ =	sdelay $0x3  }
0x96: {  	_ =	strace s2  }
0x97: {  	_ =	strace $0x8FFFFFFF  }
0x98: {  	s18 =	sld [smem:$0x3FDB];
	_ =	sdelay $0x1  }
0x99: {  	s19 =	simm.s32 $_scs_section_size  }
0x9a: {  	s4 =	simm.s32 $_size__tile_overlayer_lowered;
	s5 =	simm.s32 $_tile_overlayer_lowered  }
0x9b: {  	s22 =	simm.s32 $0x1BFF;
	s21 =	sshll.u32 s5, $0x1;
	s2 =	sadd.s32 s19, s18  }
0x9c: {  	s6 =	simm.s32 $0x0;
	s20 =	sshll.u32 s4, $0x1;
	s4 =	sadd.s32 s21, s2  }
0x9d: {  	[timem:s6], [sflag:s22] =	dma.local [hbm:s4], s20  }
0x9e: {  	_ =	swait.ge [sflag:s22], s20  }
0x9f: {  	s3 =	ssub.s32 $0x0, s20;
	[sflag:s22] =	ssyncset.done $0x0  }
0xa0: {  	[sflag:s22] =	ssyncadd.s32 s3;
	_ =	sdelay $0x1  }
0xa1: {  	s23 =	simm.s32 $0x1B8B  }
0xa2: {  	_ =	swait.ge [sflag:s23], $0x1  }
0xa3: {  	[sflag:s23] =	ssyncset.done $0x0  }
0xa4: {  	s25 =	simm.s32 $0x1B8E;
	s24 =	sld [smem:$0x3FFE];
	[sflag:s23] =	ssyncadd.s32 $0xFFFFFFFF  }
0xa5: {  	s26 =	simm.s32 $execute0_lowered;
	[smem:$0x3FD2] =	sst s25  }
0xa6: {  	s4 =	sshll.u32 s26, $0x1;
	_ =	strace $0x80000046;
	[dreg:$0x1] =	wrdreg $0xFFFFFFFF  }
0xa7: {  	s28 =	simm.s32 $_size_execute0_lowered;
	s2 =	sadd.s32 s2, s4;
	[dreg:$0x0] =	wrdreg $0x0  }
0xa8: {  	s4 =	sshll.u32 s28, $0x1;
	[dreg:$0x2] =	wrdreg s2  }
0xa9: {  	[dreg:$0x3] =	wrdreg s4  }
0xaa: {  	[dreg:$0x4] =	wrdreg $0xC0  }
0xab: {  	_ =	task [dreg:s6], $0x5FFFF  }
0xac: {  	[dreg:$0x1] =	wrdreg $0xFFFFFFFF  }
0xad: {  	[dreg:$0x0] =	wrdreg $0x60  }
0xae: {  	[dreg:$0x2] =	wrdreg s24  }
0xaf: {  	[dreg:$0x3] =	wrdreg $0x9  }
0xb0: {  	_ =	task.clear_ibuf [dreg:s6], $0x4FFFF;
	_ =	strace $0x90000046  }
0xb1: {  	s29 =	simm.s32 $0x9;
	_ =	strace $0x80000048  }
0xb2: {  	_ =	swait.ge [sflag:s29], $0x1  }
0xb3: {  	[sflag:s29] =	ssyncadd.s32 $0xFFFFFFFF  }
0xb4: {  	_ =	strace $0x90000048  }
0xb5: {  	_ =	sfence  }
0xb6: {  	s30 =	sld [smem:$0x0];
	_ =	sdelay $0x2  }
0xb7: {  	s31 =	sshll.u32 s1, $0xD;
	s1 =	sshrl.u32 s1, $0x2  }
0xb8: {  	s3 =	sand.u32 $0x4000, s31;
	s1 =	sadd.s32 s1, s30  }
0xb9: {  	s0 =	sor.u32 s3, s0;
	s1 =	sshll.u32 s1, $0x11  }
0xba: {  	s0 =	sor.u32 s1, s0  }
0xbb: {  	s0 =	sadd.s32 $0x8F2B, s0  }
0xbc: {  	[sflag:s0] =	ssyncadd.remote.s32 $0x1  }
0xbd: {  	_ =	sfence.sel $0xFFFF  }
0xbe: {  	[dreg:$0x0] =	wrdreg $0xFFFFFFFF;
	(pc) =	sbr.abs _section_cstart, $3  }
0xbf: {  	[dreg:$0x1] =	wrdreg $0xFFFFFFFF  }
0xc0: {  	_ =	task.clear_ibuf [dreg:s6], $0x2FFFF;
	_ =	strace $0x9FFFFFFF  }
0xc1: {  	(tm) =	ssettm $0x7FFFFFFF  }
tec
execute0_lowered:
.L_overlay_start_1:
0x0: {  	(tag) =	ssettag $0x1  }
0x1: {  	s0 =	srdreg.scid  }
0x2: {  	s3 =	sand.u32 $0x1, s0;
	s0 =	stileid.u32  }
0x3: {  	s2 =	sor.u32 s0, s3  }
0x4: {  	p0 =	sne.s32 s2, $0x0  }
.Ltmp0:
0x5: {  	_ = 	snop;
	(pc) =	sbr.rel @p0 .LBB2_5-.Ltmp0, $3  }
0x6: {  	_ =	sdelay $0x1  }
0x7: {  	s4 =	rddreg [dreg:$0x0]  }
0x8: {  	s1 =	rddreg [dreg:$0x1];
	_ =	strace $0x80000047  }
0x9: {  	s2 =	sadd.s32 $0xC00, s4;
	s5 =	ssub.s32 $0x2, s3  }
0xa: {  	s3 =	sadd.s32 $0x800, s4;
	s4 =	sadd.s32 $0x3E00, s4;
	s7 =	simm.s32 $0x1  }
0xb: {  	s8 =	simm.s32 $0x18700;
	s9 =	simm.s32 $0x19B00;
	s6 =	sshrl.u32 s5, $0x1  }
0xc: {  	s10 =	simm.s32 $0x0;
	s5 =	ssub.s32 s5, s6;
	s6 =	simm.s32 $0x0  }
.LBB2_2:
0xd: {  	[tilespmem:s6], [sflag:$0x1] =	stream.linear.gather [hbm4b:s2+s6], $0x18700, $0x38;
	[tilespmem:$0x1AF00] =	vst v63  }
0xe: {  	_ =	swait.ge [sflag:s7], $0x18700  }
0xf: {  	[sflag:s7] =	ssyncset.done $0x0  }
0x10: {  	[sflag:s7] =	ssyncadd.s32 $0xFFFE7900  }
0x11: {  	[tilespmem:s8], [sflag:$0x1] =	stream.linear.gather [hbm4b:s3+s6], $0x1400, $0x38;
	[tilespmem:$0x1AF00] =	vst v63  }
0x12: {  	_ =	swait.ge [sflag:s7], $0x1400  }
0x13: {  	[sflag:s7] =	ssyncset.done $0x0  }
0x14: {  	s11 =	simm.s32 $0x0;
	[sflag:s7] =	ssyncadd.s32 $0xFFFFEC00  }
0x15: {  	v0 =	vld [tilespmem:s11+$0x18700];
	_ =	sdelay $0x7  }
0x16: {  	s12 =	simm.s32 $0x10;
	s13 =	simm.s32 $0x80;
	v0 =	vld.idx.msk [tilespmem:v0+s6+$0x0], $0xffff  }
.LBB2_3:
0x17: {  	p0 =	sne.s32 s13, $0x4FC0;
	v1 =	vld [tilespmem:s12+$0x18700];
	_ =	sdelay $0x3  }
.Ltmp1:
0x18: {  	(pc) =	sbr.rel @p0 .LBB2_3-.Ltmp1, $2  }
0x19: {  	[tilespmem:s11+$0x19B00] =	vst v0;
	s11 =	smov.u32 s12;
	_ =	sdelay $0x2  }
0x1a: {  	s12 =	sshra.s32 s13, $0x2;
	s13 =	sadd.s32 $0x40, s13;
	v0 =	vld.idx.msk [tilespmem:v1+s6+$0x0], $0xffff  }
0x1b: {  	v1 =	vld [tilespmem:s12+$0x18700];
	_ =	sdelay $0x6  }
0x1c: {  	[tilespmem:s11+$0x19B00] =	vst v0  }
0x1d: {  	v0 =	vld.idx.msk [tilespmem:v1+s6+$0x0], $0xffff;
	_ =	sdelay $0x2  }
0x1e: {  	s10 =	sadd.s32 $0x1, s10  }
0x1f: {  	p0 =	sne.s32 s10, s5  }
.Ltmp2:
0x20: {  	[tilespmem:s12+$0x19B00] =	vst v0;
	(pc) =	sbr.rel @p0 .LBB2_2-.Ltmp2, $4  }
0x21: {  	[hbm4b:s4+s6] =	stream.linear.scatter [tilespmem:s9], [sflag:$0x1], $0x1400, $0x38;
	[tilespmem:$0x1AF00] =	vst v63  }
0x22: {  	_ =	swait.ge [sflag:s7], $0x1400  }
0x23: {  	[sflag:s7] =	ssyncset.done $0x0  }
0x24: {  	[sflag:s7] =	ssyncadd.s32 $0xFFFFEC00  }
.LBB2_5:
0x25: {  	_ =	sfence.sel $0x180000  }
0x26: {  	[bflag:$0x0] =	sbarrier.arrive $0xFFFF  }
0x27: {  	p0 =	sne.s32 s0, $0x0;
	_ =	strace $0x90000047  }
0x28: {  	s0 =	sadd.s32 @!p0 $0x100000, s1;
	[bflag:$0x2] =	sbarrier.arrive $0xFFFF  }
0x29: {  	[sflag:s0] =	ssyncadd.tile.s32 @!p0 $0x1;
	_ =	shalt  }
.Lfunc_end2:
_tile_overlayer_lowered:
.L_overlay_start_2:
0x2a: {  	(tag) =	ssettag $0x2  }
0x2b: {  	s0 =	rddreg [dreg:$0x0];
	s2 =	stileid.u32  }
0x2c: {  	s1 =	rddreg [dreg:$0x1];
	p0 =	sne.s32 s2, $0x0  }
0x2d: {  	s3 =	rddreg [dreg:$0x2];
	[bflag:$0x3] =	sbarrier.arrive $0xFFFF;
	s2 =	simm.s32 @!p0 $0x1C01  }
0x2e: {  	[timem:s3], [sflag:s2] =	dma.local @!p0 [hbm:s0], s1  }
0x2f: {  	s0 =	simm.s32 @!p0 $0x1  }
0x30: {  	_ =	swait.ge @!p0 [sflag:s0], s1  }
0x31: {  	s1 =	ssub.s32 @!p0 $0x0, s1;
	[sflag:s0] =	ssyncset.done @!p0 $0x0  }
0x32: {  	[sflag:s0] =	ssyncadd.s32 @!p0 s1  }
0x33: {  	[bflag:$0x3] =	sbarrier.arrive $0xFFFF  }
0x34: {  	_ =	shalt  }

</sc_bundles>
